<compile_context>
chip_gen: v7x
topology: tpu7x:2x2x1
jax: 0.10.2.dev20260603
libtpu: 0.0.44.dev20260713+nightly
codegen_flags: <defaults>
</compile_context>

<pallas_src>
import functools

import jax
import jax.numpy as jnp
from jax import lax
from jax.experimental import pallas as pl
from jax.experimental.pallas import tpu as pltpu
from jax.experimental.pallas import tpu_sc as plsc

VOCAB_SIZE = 1000000
HIDDEN = 128

NC = 2
NS = 16
NW = NC * NS

CHUNK = 128
B_TOTAL = 4096 * 200
B_PER_W = B_TOTAL // NW
NCHUNK = B_PER_W // CHUNK


def _mesh():
    return plsc.VectorSubcoreMesh(
        core_axis_name="c", subcore_axis_name="s", num_cores=NC, num_subcores=NS
    )


@functools.partial(
    pl.kernel,
    out_type=jax.ShapeDtypeStruct((NW, NCHUNK, CHUNK, HIDDEN), jnp.float32),
    mesh=_mesh(),
    scratch_types=[
        pltpu.VMEM((NCHUNK, CHUNK), jnp.int32),
        pltpu.VMEM((CHUNK, HIDDEN), jnp.float32),
        pltpu.VMEM((CHUNK, HIDDEN), jnp.float32),
        pltpu.SemaphoreType.DMA,
        pltpu.SemaphoreType.DMA,
    ],
)
def _gather_kernel(idx_hbm, table_hbm, out_hbm, idx_v, rows0, rows1, sem0, sem1):
    wid = lax.axis_index("s") * NC + lax.axis_index("c")

    pltpu.sync_copy(idx_hbm.at[wid], idx_v)

    def start(j, buf, sem):
        pltpu.make_async_copy(table_hbm.at[idx_v.at[j]], buf, sem).start()

    def finish(j, buf, sem):
        pltpu.make_async_copy(table_hbm.at[idx_v.at[j]], buf, sem).wait()
        pltpu.sync_copy(buf, out_hbm.at[wid, j])

    start(0, rows0, sem0)

    def pair(p, _):
        j0 = 2 * p
        start(j0 + 1, rows1, sem1)
        finish(j0, rows0, sem0)

        @pl.when(p + 1 < NCHUNK // 2)
        def _():
            start(j0 + 2, rows0, sem0)

        finish(j0 + 1, rows1, sem1)
        return 0

    lax.fori_loop(0, NCHUNK // 2, pair, 0)


def kernel(inputs, weight):
    idx = inputs.astype(jnp.int32).reshape(NW, NCHUNK, CHUNK)
    out = _gather_kernel(idx, weight)
    return out.reshape(4096, 200, HIDDEN)

# --- scband reference (transcript-rebuilt; emitter-appended) ---
"""Pipeline reference for scband-bert-embedding-50448685858838 (READ-ONLY COPY).

The authoritative reference and input builder live on the scoring server;
editing this copy changes nothing except your own understanding.
"""

import jax, jax.numpy as jnp
import numpy as np

VOCAB_SIZE = 1000000
HIDDEN_SIZE = 128

def setup_inputs(seed: int = 0) -> dict:
    key = jax.random.key(seed)
    k_idx, k_w = jax.random.split(key)
    inputs = jax.random.randint(k_idx, (4096, 200), 0, VOCAB_SIZE, dtype=jnp.int64 if jax.config.jax_enable_x64 else jnp.int32)
    weight = jax.random.normal(k_w, (VOCAB_SIZE, HIDDEN_SIZE), dtype=jnp.float32) * 0.1
    return {"inputs": inputs, "weight": weight}

def reference(inputs, weight):
    # Faithful translation of BertEmbedding.__call__: jnp.take(embedding, inputs, axis=0)
    return jnp.take(weight, inputs, axis=0)

if __name__ == "__main__":
    import jax
    _d = setup_inputs()
    print(jax.jit(kernel)(*tuple(_d.values())))

</pallas_src>

<mosaic_0001>
#map = affine_map<(d0, d1) -> (0, 0, 0)>
#map1 = affine_map<(d0, d1) -> (0, 0)>
#map2 = affine_map<(d0, d1) -> (0, 0, 0, 0)>
module attributes {stable_mosaic.version = 14 : i64} {
  func.func @_gather_kernel(%arg0: i32, %arg1: i32, %arg2: memref<32x200x128xi32, #tpu.memory_space<hbm>>, %arg3: memref<1000000x128xf32, #tpu.memory_space<hbm>>, %arg4: memref<32x200x128x128xf32, #tpu.memory_space<hbm>>, %arg5: memref<200x128xi32, #tpu.memory_space<vmem>>, %arg6: memref<128x128xf32, #tpu.memory_space<vmem>>, %arg7: memref<128x128xf32, #tpu.memory_space<vmem>>, %arg8: memref<!tpu.dma_semaphore, #tpu.memory_space<semaphore_mem>>, %arg9: memref<!tpu.dma_semaphore, #tpu.memory_space<semaphore_mem>>) attributes {dimension_semantics = [#tpu.dimension_semantics<core_parallel>, #tpu.dimension_semantics<subcore_parallel>], iteration_bounds = array<i64: 2, 16>, scalar_prefetch = 0 : i64, scratch_operands = 5 : i64, tpu.core_type = #tpu.core_type<sc_vector_subcore>, window_params = [{transform_indices = #map}, {transform_indices = #map1}, {transform_indices = #map2}]} {
    %mul3A = arith.constant 2 : i32
    %mul3A_0 = arith.muli %arg1, %mul3A : i32
    %add3A = arith.addi %mul3A_0, %arg0 : i32
    "tpu.region"() ({
      %run_scoped3A = tpu.sem_alloc : memref<!tpu.dma_semaphore, #tpu.memory_space<semaphore_mem>>
      %dma_start3A_13 = arith.constant 0 : i32
      %dma_start3A_14 = arith.constant 0 : i32
      %dma_start3A_15 = tpu.memref_slice %arg2[%add3A, %dma_start3A_13, %dma_start3A_14] : memref<32x200x128xi32, #tpu.memory_space<hbm>> -> memref<1x200x128xi32, #tpu.memory_space<hbm>>
      %dma_start3A_16 = tpu.memref_squeeze %dma_start3A_15 : memref<1x200x128xi32, #tpu.memory_space<hbm>> -> memref<200x128xi32, #tpu.memory_space<hbm>>
      %dma_start3A_17 = arith.constant 0 : i32
      %dma_start3A_18 = arith.constant 0 : i32
      %dma_start3A_19 = tpu.memref_slice %arg2[%add3A, %dma_start3A_17, %dma_start3A_18] : memref<32x200x128xi32, #tpu.memory_space<hbm>> -> memref<1x200x128xi32, #tpu.memory_space<hbm>>
      %dma_start3A_20 = tpu.memref_squeeze %dma_start3A_19 : memref<1x200x128xi32, #tpu.memory_space<hbm>> -> memref<200x128xi32, #tpu.memory_space<hbm>>
      tpu.enqueue_dma source(%dma_start3A_20 : memref<200x128xi32, #tpu.memory_space<hbm>>) target(%arg5 : memref<200x128xi32, #tpu.memory_space<vmem>>) target_semaphore(%run_scoped3A : memref<!tpu.dma_semaphore, #tpu.memory_space<semaphore_mem>>)
      %dma_wait3A = arith.constant 0 : i32
      %dma_wait3A_21 = arith.constant 0 : i32
      %dma_wait3A_22 = tpu.memref_slice %arg2[%add3A, %dma_wait3A, %dma_wait3A_21] : memref<32x200x128xi32, #tpu.memory_space<hbm>> -> memref<1x200x128xi32, #tpu.memory_space<hbm>>
      %dma_wait3A_23 = tpu.memref_squeeze %dma_wait3A_22 : memref<1x200x128xi32, #tpu.memory_space<hbm>> -> memref<200x128xi32, #tpu.memory_space<hbm>>
      %dma_wait3A_24 = arith.constant 0 : i32
      %dma_wait3A_25 = arith.constant 0 : i32
      %dma_wait3A_26 = tpu.memref_slice %arg2[%add3A, %dma_wait3A_24, %dma_wait3A_25] : memref<32x200x128xi32, #tpu.memory_space<hbm>> -> memref<1x200x128xi32, #tpu.memory_space<hbm>>
      %dma_wait3A_27 = tpu.memref_squeeze %dma_wait3A_26 : memref<1x200x128xi32, #tpu.memory_space<hbm>> -> memref<200x128xi32, #tpu.memory_space<hbm>>
      tpu.wait_dma2 semaphore(%run_scoped3A : memref<!tpu.dma_semaphore, #tpu.memory_space<semaphore_mem>>) src(%dma_wait3A_27 : memref<200x128xi32, #tpu.memory_space<hbm>>) dst(%arg5 : memref<200x128xi32, #tpu.memory_space<vmem>>)
      tpu.yield
    }) : () -> ()
    %dma_start3A = arith.constant 0 : i32
    %dma_start3A_1 = arith.constant 0 : i32
    %dma_start3A_2 = tpu.memref_slice %arg5[%dma_start3A, %dma_start3A_1] : memref<200x128xi32, #tpu.memory_space<vmem>> -> memref<1x128xi32, #tpu.memory_space<vmem>>
    %dma_start3A_3 = tpu.memref_squeeze %dma_start3A_2 : memref<1x128xi32, #tpu.memory_space<vmem>> -> memref<128xi32, #tpu.memory_space<vmem>>
    %dma_start3A_4 = arith.constant 0 : i32
    %dma_start3A_5 = arith.constant 0 : i32
    %dma_start3A_6 = tpu.memref_slice %arg3[%dma_start3A_4, %dma_start3A_5] : memref<1000000x128xf32, #tpu.memory_space<hbm>> -> memref<1000000x128xf32, #tpu.memory_space<hbm>>
    tpu.enqueue_indirect_dma source(%dma_start3A_6 : memref<1000000x128xf32, #tpu.memory_space<hbm>>) target(%arg6 : memref<128x128xf32, #tpu.memory_space<vmem>>) offsets(%dma_start3A_3 : memref<128xi32, #tpu.memory_space<vmem>>) semaphore(%arg8 : memref<!tpu.dma_semaphore, #tpu.memory_space<semaphore_mem>>)
    %scan3A = arith.constant 0 : i32
    %scan3A_7 = arith.constant 0 : i32
    %scan3A_8 = arith.constant 100 : i32
    %scan3A_9 = arith.addi %scan3A_7, %scan3A_8 : i32
    %scan3A_10 = arith.constant 1 : i32
    %scan3A_11 = scf.for %scan3A_13 = %scan3A_7 to %scan3A_9 step %scan3A_10 iter_args(%scan3A_14 = %scan3A) -> (i32)  : i32 {
      %mul3A_15 = arith.constant 2 : i32
      %mul3A_16 = arith.muli %mul3A_15, %scan3A_13 : i32
      %add3A_17 = arith.constant 1 : i32
      %add3A_18 = arith.addi %mul3A_16, %add3A_17 : i32
      %dma_start3A_19 = arith.constant 0 : i32
      %dma_start3A_20 = tpu.memref_slice %arg5[%add3A_18, %dma_start3A_19] : memref<200x128xi32, #tpu.memory_space<vmem>> -> memref<1x128xi32, #tpu.memory_space<vmem>>
      %dma_start3A_21 = tpu.memref_squeeze %dma_start3A_20 : memref<1x128xi32, #tpu.memory_space<vmem>> -> memref<128xi32, #tpu.memory_space<vmem>>
      %dma_start3A_22 = arith.constant 0 : i32
      %dma_start3A_23 = arith.constant 0 : i32
      %dma_start3A_24 = tpu.memref_slice %arg3[%dma_start3A_22, %dma_start3A_23] : memref<1000000x128xf32, #tpu.memory_space<hbm>> -> memref<1000000x128xf32, #tpu.memory_space<hbm>>
      tpu.enqueue_indirect_dma source(%dma_start3A_24 : memref<1000000x128xf32, #tpu.memory_space<hbm>>) target(%arg7 : memref<128x128xf32, #tpu.memory_space<vmem>>) offsets(%dma_start3A_21 : memref<128xi32, #tpu.memory_space<vmem>>) semaphore(%arg9 : memref<!tpu.dma_semaphore, #tpu.memory_space<semaphore_mem>>)
      %dma_wait3A = arith.constant 0 : i32
      %dma_wait3A_25 = tpu.memref_slice %arg5[%mul3A_16, %dma_wait3A] : memref<200x128xi32, #tpu.memory_space<vmem>> -> memref<1x128xi32, #tpu.memory_space<vmem>>
      %dma_wait3A_26 = tpu.memref_squeeze %dma_wait3A_25 : memref<1x128xi32, #tpu.memory_space<vmem>> -> memref<128xi32, #tpu.memory_space<vmem>>
      %dma_wait3A_27 = arith.constant 0 : i32
      %dma_wait3A_28 = arith.constant 0 : i32
      %dma_wait3A_29 = tpu.memref_slice %arg3[%dma_wait3A_27, %dma_wait3A_28] : memref<1000000x128xf32, #tpu.memory_space<hbm>> -> memref<1000000x128xf32, #tpu.memory_space<hbm>>
      tpu.wait_indirect_dma semaphore(%arg8 : memref<!tpu.dma_semaphore, #tpu.memory_space<semaphore_mem>>) src(%dma_wait3A_29 : memref<1000000x128xf32, #tpu.memory_space<hbm>>) dst(%arg6 : memref<128x128xf32, #tpu.memory_space<vmem>>)
      "tpu.region"() ({
        %run_scoped3A = tpu.sem_alloc : memref<!tpu.dma_semaphore, #tpu.memory_space<semaphore_mem>>
        %dma_start3A_43 = arith.constant 0 : i32
        %dma_start3A_44 = arith.constant 0 : i32
        %dma_start3A_45 = tpu.memref_slice %arg4[%add3A, %mul3A_16, %dma_start3A_43, %dma_start3A_44] : memref<32x200x128x128xf32, #tpu.memory_space<hbm>> -> memref<1x1x128x128xf32, #tpu.memory_space<hbm>>
        %dma_start3A_46 = tpu.memref_squeeze %dma_start3A_45 : memref<1x1x128x128xf32, #tpu.memory_space<hbm>> -> memref<128x128xf32, #tpu.memory_space<hbm>>
        %dma_start3A_47 = arith.constant 0 : i32
        %dma_start3A_48 = arith.constant 0 : i32
        %dma_start3A_49 = tpu.memref_slice %arg4[%add3A, %mul3A_16, %dma_start3A_47, %dma_start3A_48] : memref<32x200x128x128xf32, #tpu.memory_space<hbm>> -> memref<1x1x128x128xf32, #tpu.memory_space<hbm>>
        %dma_start3A_50 = tpu.memref_squeeze %dma_start3A_49 : memref<1x1x128x128xf32, #tpu.memory_space<hbm>> -> memref<128x128xf32, #tpu.memory_space<hbm>>
        tpu.enqueue_dma source(%arg6 : memref<128x128xf32, #tpu.memory_space<vmem>>) target(%dma_start3A_50 : memref<128x128xf32, #tpu.memory_space<hbm>>) target_semaphore(%run_scoped3A : memref<!tpu.dma_semaphore, #tpu.memory_space<semaphore_mem>>)
        %dma_wait3A_51 = arith.constant 0 : i32
        %dma_wait3A_52 = arith.constant 0 : i32
        %dma_wait3A_53 = tpu.memref_slice %arg4[%add3A, %mul3A_16, %dma_wait3A_51, %dma_wait3A_52] : memref<32x200x128x128xf32, #tpu.memory_space<hbm>> -> memref<1x1x128x128xf32, #tpu.memory_space<hbm>>
        %dma_wait3A_54 = tpu.memref_squeeze %dma_wait3A_53 : memref<1x1x128x128xf32, #tpu.memory_space<hbm>> -> memref<128x128xf32, #tpu.memory_space<hbm>>
        %dma_wait3A_55 = arith.constant 0 : i32
        %dma_wait3A_56 = arith.constant 0 : i32
        %dma_wait3A_57 = tpu.memref_slice %arg4[%add3A, %mul3A_16, %dma_wait3A_55, %dma_wait3A_56] : memref<32x200x128x128xf32, #tpu.memory_space<hbm>> -> memref<1x1x128x128xf32, #tpu.memory_space<hbm>>
        %dma_wait3A_58 = tpu.memref_squeeze %dma_wait3A_57 : memref<1x1x128x128xf32, #tpu.memory_space<hbm>> -> memref<128x128xf32, #tpu.memory_space<hbm>>
        tpu.wait_dma2 semaphore(%run_scoped3A : memref<!tpu.dma_semaphore, #tpu.memory_space<semaphore_mem>>) src(%arg6 : memref<128x128xf32, #tpu.memory_space<vmem>>) dst(%dma_wait3A_58 : memref<128x128xf32, #tpu.memory_space<hbm>>)
        tpu.yield
      }) : () -> ()
      %add3A_30 = arith.constant 1 : i32
      %add3A_31 = arith.addi %scan3A_13, %add3A_30 : i32
      %lt3A = arith.constant 100 : i32
      %lt3A_32 = arith.cmpi slt, %add3A_31, %lt3A : i32
      %convert_element_type3A = arith.extui %lt3A_32 : i1 to i32
      %cond3A = arith.constant 0 : i32
      %cond3A_33 = arith.cmpi ne, %convert_element_type3A, %cond3A : i32
      scf.if %cond3A_33 {
        %add3A_43 = arith.constant 2 : i32
        %add3A_44 = arith.addi %mul3A_16, %add3A_43 : i32
        %dma_start3A_45 = arith.constant 0 : i32
        %dma_start3A_46 = tpu.memref_slice %arg5[%add3A_44, %dma_start3A_45] : memref<200x128xi32, #tpu.memory_space<vmem>> -> memref<1x128xi32, #tpu.memory_space<vmem>>
        %dma_start3A_47 = tpu.memref_squeeze %dma_start3A_46 : memref<1x128xi32, #tpu.memory_space<vmem>> -> memref<128xi32, #tpu.memory_space<vmem>>
        %dma_start3A_48 = arith.constant 0 : i32
        %dma_start3A_49 = arith.constant 0 : i32
        %dma_start3A_50 = tpu.memref_slice %arg3[%dma_start3A_48, %dma_start3A_49] : memref<1000000x128xf32, #tpu.memory_space<hbm>> -> memref<1000000x128xf32, #tpu.memory_space<hbm>>
        tpu.enqueue_indirect_dma source(%dma_start3A_50 : memref<1000000x128xf32, #tpu.memory_space<hbm>>) target(%arg6 : memref<128x128xf32, #tpu.memory_space<vmem>>) offsets(%dma_start3A_47 : memref<128xi32, #tpu.memory_space<vmem>>) semaphore(%arg8 : memref<!tpu.dma_semaphore, #tpu.memory_space<semaphore_mem>>)
      } else {
      }
      %add3A_34 = arith.constant 1 : i32
      %add3A_35 = arith.addi %mul3A_16, %add3A_34 : i32
      %dma_wait3A_36 = arith.constant 0 : i32
      %dma_wait3A_37 = tpu.memref_slice %arg5[%add3A_35, %dma_wait3A_36] : memref<200x128xi32, #tpu.memory_space<vmem>> -> memref<1x128xi32, #tpu.memory_space<vmem>>
      %dma_wait3A_38 = tpu.memref_squeeze %dma_wait3A_37 : memref<1x128xi32, #tpu.memory_space<vmem>> -> memref<128xi32, #tpu.memory_space<vmem>>
      %dma_wait3A_39 = arith.constant 0 : i32
      %dma_wait3A_40 = arith.constant 0 : i32
      %dma_wait3A_41 = tpu.memref_slice %arg3[%dma_wait3A_39, %dma_wait3A_40] : memref<1000000x128xf32, #tpu.memory_space<hbm>> -> memref<1000000x128xf32, #tpu.memory_space<hbm>>
      tpu.wait_indirect_dma semaphore(%arg9 : memref<!tpu.dma_semaphore, #tpu.memory_space<semaphore_mem>>) src(%dma_wait3A_41 : memref<1000000x128xf32, #tpu.memory_space<hbm>>) dst(%arg7 : memref<128x128xf32, #tpu.memory_space<vmem>>)
      "tpu.region"() ({
        %run_scoped3A = tpu.sem_alloc : memref<!tpu.dma_semaphore, #tpu.memory_space<semaphore_mem>>
        %dma_start3A_43 = arith.constant 0 : i32
        %dma_start3A_44 = arith.constant 0 : i32
        %dma_start3A_45 = tpu.memref_slice %arg4[%add3A, %add3A_35, %dma_start3A_43, %dma_start3A_44] : memref<32x200x128x128xf32, #tpu.memory_space<hbm>> -> memref<1x1x128x128xf32, #tpu.memory_space<hbm>>
        %dma_start3A_46 = tpu.memref_squeeze %dma_start3A_45 : memref<1x1x128x128xf32, #tpu.memory_space<hbm>> -> memref<128x128xf32, #tpu.memory_space<hbm>>
        %dma_start3A_47 = arith.constant 0 : i32
        %dma_start3A_48 = arith.constant 0 : i32
        %dma_start3A_49 = tpu.memref_slice %arg4[%add3A, %add3A_35, %dma_start3A_47, %dma_start3A_48] : memref<32x200x128x128xf32, #tpu.memory_space<hbm>> -> memref<1x1x128x128xf32, #tpu.memory_space<hbm>>
        %dma_start3A_50 = tpu.memref_squeeze %dma_start3A_49 : memref<1x1x128x128xf32, #tpu.memory_space<hbm>> -> memref<128x128xf32, #tpu.memory_space<hbm>>
        tpu.enqueue_dma source(%arg7 : memref<128x128xf32, #tpu.memory_space<vmem>>) target(%dma_start3A_50 : memref<128x128xf32, #tpu.memory_space<hbm>>) target_semaphore(%run_scoped3A : memref<!tpu.dma_semaphore, #tpu.memory_space<semaphore_mem>>)
        %dma_wait3A_51 = arith.constant 0 : i32
        %dma_wait3A_52 = arith.constant 0 : i32
        %dma_wait3A_53 = tpu.memref_slice %arg4[%add3A, %add3A_35, %dma_wait3A_51, %dma_wait3A_52] : memref<32x200x128x128xf32, #tpu.memory_space<hbm>> -> memref<1x1x128x128xf32, #tpu.memory_space<hbm>>
        %dma_wait3A_54 = tpu.memref_squeeze %dma_wait3A_53 : memref<1x1x128x128xf32, #tpu.memory_space<hbm>> -> memref<128x128xf32, #tpu.memory_space<hbm>>
        %dma_wait3A_55 = arith.constant 0 : i32
        %dma_wait3A_56 = arith.constant 0 : i32
        %dma_wait3A_57 = tpu.memref_slice %arg4[%add3A, %add3A_35, %dma_wait3A_55, %dma_wait3A_56] : memref<32x200x128x128xf32, #tpu.memory_space<hbm>> -> memref<1x1x128x128xf32, #tpu.memory_space<hbm>>
        %dma_wait3A_58 = tpu.memref_squeeze %dma_wait3A_57 : memref<1x1x128x128xf32, #tpu.memory_space<hbm>> -> memref<128x128xf32, #tpu.memory_space<hbm>>
        tpu.wait_dma2 semaphore(%run_scoped3A : memref<!tpu.dma_semaphore, #tpu.memory_space<semaphore_mem>>) src(%arg7 : memref<128x128xf32, #tpu.memory_space<vmem>>) dst(%dma_wait3A_58 : memref<128x128xf32, #tpu.memory_space<hbm>>)
        tpu.yield
      }) : () -> ()
      %scan3A_42 = arith.constant 0 : i32
      scf.yield %scan3A_42 : i32
    }
    %scan3A_12 = arith.constant 100 : i32
    return
  }
}

</mosaic_0001>

<sc_bundles>
// kernel: kernel.3.cloned.1.call-start
scs
__scs_entry_jumppad:
0x0: {  	(pc) =	sbr.rel $0x88, $3  }
0x1: {  	(tag) =	ssettag $0x0;
	lr =	simm.s32 $0x1  }
0x2: {  	[smem:$0x3F9F] =	sst lr;
	_ =	strace $0xD0000000  }
0x3: {  	_ = 	snop  }
0x4: {  	_ = 	snop  }
0x5: {  	_ = 	snop  }
0x6: {  	_ = 	snop  }
0x7: {  	_ = 	snop  }
__scs_overlays_trampoline_lowered:
0x8: {  	[smem:$0x3FAE] =	sst s0  }
0x9: {  	[smem:$0x3FAF] =	sst s1  }
0xa: {  	[smem:$0x3FB0] =	sst s2  }
0xb: {  	[smem:$0x3FB1] =	sst s3  }
0xc: {  	[smem:$0x3FB2] =	sst s4  }
0xd: {  	[smem:$0x3FB3] =	sst s5  }
0xe: {  	[smem:$0x3FB4] =	sst s6  }
0xf: {  	[smem:$0x3FB5] =	sst s7  }
0x10: {  	[smem:$0x3FB6] =	sst s8  }
0x11: {  	[smem:$0x3FB7] =	sst s9;
	s0 =	simm.s32 @!p0 $0x0  }
0x12: {  	s1 =	sld [smem:$0x3F9D];
	s0 =	simm.s32 @p0 $0x1  }
0x13: {  	[smem:$0x3FB8] =	sst s0;
	s0 =	simm.s32 @!p1 $0x0  }
0x14: {  	s2 =	sld [smem:$0x3F9C];
	s0 =	simm.s32 @p1 $0x1  }
0x15: {  	[smem:$0x3FB9] =	sst s0;
	s0 =	simm.s32 @!p2 $0x0  }
0x16: {  	s3 =	sld [smem:$0x3FDB];
	s0 =	simm.s32 @p2 $0x1  }
0x17: {  	s4 =	simm.s32 $0x1BF5;
	[smem:$0x3FBB] =	sst s0  }
0x18: {  	s0 =	sld [smem:$0x3F9E];
	_ =	swait.ge [sflag:s4], $0x0  }
0x19: {  	s7 =	sld [smem:$0x3F9F]  }
0x1a: {  	s8 =	sadd.s32 $0xFFFFE003, lr  }
0x1b: {  	s9 =	sadd.s32 $0xFFFFFEF7, lr;
	s5 =	simm.s32 $0xFFFFFFFF;
	p2 =	slt.u32 s8, $0xFFFFF086  }
0x1c: {  	p1 =	slt.u32 s9, $0xF7A;
	s5 =	simm.s32 @!p2 $0x0  }
0x1d: {  	s5 =	simm.s32 @p1 $0x1;
	p0 =	seq.s32 s7, s2  }
0x1e: {  	s7 =	smul.u32 @!p0 $0xF7A, s2;
	p2 =	seq.s32 @!p0 s5, $0x0  }
0x1f: {  	s9 =	smul.u32 $0xF7A, s1;
	s8 =	simm.s32 @!p0 $0x1BF5;
	p2 =	por !p2, p0  }
0x20: {  	[sflag:s8] =	ssyncset.s32 @!p0 $0xFFFFF086;
	s6 =	sadd.s32 @!p0 s3, s7;
	s7 =	simm.s32 @!p0 $0x108  }
0x21: {  	s3 =	sadd.s32 s3, s9;
	s6 =	sadd.s32 @!p0 $0x88, s6;
	s7 =	simm.s32 @p2 $0x1082  }
0x22: {  	[simem:s7], [sflag:s8] =	dma.local @!p0 [hbm:s6], $0xF7A  }
0x23: {  	s9 =	sor.u32 $0xD0000000, s2;
	s6 =	simm.s32 $0x108;
	_ =	swait.ge @!p0 [sflag:s8], $0x0  }
0x24: {  	s3 =	sadd.s32 $0x88, s3;
	s6 =	simm.s32 @!p1 $0x1082;
	[sflag:s4] =	ssyncset.s32 $0xFFFFF086  }
0x25: {  	[simem:s6], [sflag:s4] =	dma.local [hbm:s3], $0xF7A  }
0x26: {  	[smem:$0x3F9F] =	sst s1;
	(tag) =	ssettag s2;
	_ =	strace s9  }
0x27: {  	s1 =	sld [smem:$0x3FAF]  }
0x28: {  	s2 =	sld [smem:$0x3FB0]  }
0x29: {  	s4 =	sld [smem:$0x3FB2]  }
0x2a: {  	p0 =	seq.s32 s5, $0x0;
	s5 =	sld [smem:$0x3FB3]  }
0x2b: {  	s6 =	sld [smem:$0x3FB4]  }
0x2c: {  	s7 =	sld [smem:$0x3FB5]  }
0x2d: {  	s3 =	simm.s32 $0x108;
	s8 =	sld [smem:$0x3FB6]  }
0x2e: {  	s3 =	simm.s32 @!p0 $0x1082;
	s9 =	sld [smem:$0x3FB7]  }
0x2f: {  	lr =	sadd.s32 s0, s3;
	s0 =	sld [smem:$0x3FAE]  }
0x30: {  	s3 =	sld [smem:$0x3FB1]  }
0x31: {  	[smem:$0x3FBA] =	sst s10  }
0x32: {  	s10 =	sld [smem:$0x3FB8];
	_ =	sdelay $0x3  }
0x33: {  	p0 =	seq.s32 s10, $0x1;
	s10 =	sld [smem:$0x3FBA];
	_ =	sdelay $0x3  }
0x34: {  	[smem:$0x3FBA] =	sst s10  }
0x35: {  	s10 =	sld [smem:$0x3FB9];
	_ =	sdelay $0x3  }
0x36: {  	p1 =	seq.s32 s10, $0x1;
	s10 =	sld [smem:$0x3FBA];
	_ =	sdelay $0x3  }
0x37: {  	[smem:$0x3FBA] =	sst s10  }
0x38: {  	s10 =	sld [smem:$0x3FBB]  }
0x39: {  	_ = 	snop;
	(pc) =	sbr.ind lr, $3  }
0x3a: {  	_ = 	snop  }
0x3b: {  	_ = 	snop  }
0x3c: {  	p2 =	seq.s32 s10, $0x1;
	s10 =	sld [smem:$0x3FBA]  }
0x3d: {  	_ =	shalt  }
0x3e: {  	_ =	shalt  }
0x3f: {  	_ =	shalt  }
0x40: {  	_ =	shalt  }
0x41: {  	_ =	shalt  }
0x42: {  	_ =	shalt  }
0x43: {  	_ =	shalt  }
0x44: {  	_ =	shalt  }
0x45: {  	_ =	shalt  }
0x46: {  	_ =	shalt  }
0x47: {  	_ =	shalt  }
0x48: {  	_ =	shalt  }
0x49: {  	_ =	shalt  }
0x4a: {  	_ =	shalt  }
0x4b: {  	_ =	shalt  }
0x4c: {  	_ =	shalt  }
0x4d: {  	_ =	shalt  }
0x4e: {  	_ =	shalt  }
0x4f: {  	_ =	shalt  }
0x50: {  	_ =	shalt  }
0x51: {  	_ =	shalt  }
0x52: {  	_ =	shalt  }
0x53: {  	_ =	shalt  }
0x54: {  	_ =	shalt  }
0x55: {  	_ =	shalt  }
0x56: {  	_ =	shalt  }
0x57: {  	_ =	shalt  }
0x58: {  	_ =	shalt  }
0x59: {  	_ =	shalt  }
0x5a: {  	_ =	shalt  }
0x5b: {  	_ =	shalt  }
0x5c: {  	_ =	shalt  }
0x5d: {  	_ =	shalt  }
0x5e: {  	_ =	shalt  }
0x5f: {  	_ =	shalt  }
0x60: {  	_ =	shalt  }
0x61: {  	_ =	shalt  }
0x62: {  	_ =	shalt  }
0x63: {  	_ =	shalt  }
0x64: {  	_ =	shalt  }
0x65: {  	_ =	shalt  }
0x66: {  	_ =	shalt  }
0x67: {  	_ =	shalt  }
0x68: {  	_ =	shalt  }
0x69: {  	_ =	shalt  }
0x6a: {  	_ =	shalt  }
0x6b: {  	_ =	shalt  }
0x6c: {  	_ =	shalt  }
0x6d: {  	_ =	shalt  }
0x6e: {  	_ =	shalt  }
0x6f: {  	_ =	shalt  }
0x70: {  	_ =	shalt  }
0x71: {  	_ =	shalt  }
0x72: {  	_ =	shalt  }
0x73: {  	_ =	shalt  }
0x74: {  	_ =	shalt  }
0x75: {  	_ =	shalt  }
0x76: {  	_ =	shalt  }
0x77: {  	_ =	shalt  }
0x78: {  	_ =	shalt  }
0x79: {  	_ =	shalt  }
0x7a: {  	_ =	shalt  }
0x7b: {  	_ =	shalt  }
0x7c: {  	_ =	shalt  }
0x7d: {  	_ =	shalt  }
0x7e: {  	_ =	shalt  }
0x7f: {  	_ =	shalt  }
0x80: {  	_ =	shalt  }
0x81: {  	_ =	shalt  }
0x82: {  	_ =	shalt  }
0x83: {  	_ =	shalt  }
0x84: {  	_ =	shalt  }
0x85: {  	_ =	shalt  }
0x86: {  	_ =	shalt  }
0x87: {  	_ =	shalt  }
.Lfunc_end0:
.L_simem_size_0:
called_computation_lowered:
.L_overlay_start_0:
0x88: {  	s2 =	sld [smem:$0x3FD9]  }
0x89: {  	s3 =	sld [smem:$0x3FFE];
	_ =	sdelay $0x1  }
0x8a: {  	s1 =	srdreg.scid  }
0x8b: {  	s0 =	sand.u32 $0x1, s1  }
0x8c: {  	s17 =	sshll.u32 s0, $0xA;
	s2 =	sadd.s32 s3, s2  }
0x8d: {  	s2 =	sadd.s32 s2, s17  }
0x8e: {  	[smem:$0x3FC6] =	sst s2  }
0x8f: {  	_ = 	snop  }
0x90: {  	s2 =	sld [smem:$0x3FC8]  }
0x91: {  	s18 =	sld [smem:$0x3FD0];
	(tm) =	ssettm $0x1  }
0x92: {  	s4 =	sld [smem:$0x3FFB];
	_ =	sdelay $0x3  }
0x93: {  	_ =	strace s4  }
0x94: {  	s4 =	sld [smem:$0x3FFC];
	_ =	sdelay $0x3  }
0x95: {  	_ =	strace s4  }
0x96: {  	s4 =	sld [smem:$0x3FFD];
	_ =	sdelay $0x3  }
0x97: {  	_ =	strace s4  }
0x98: {  	_ =	strace $0x8FFFFFFF  }
0x99: {  	s19 =	sld [smem:$0x3FDB];
	_ =	sdelay $0x1  }
0x9a: {  	s5 =	simm.s32 $_scs_section_size  }
0x9b: {  	s6 =	simm.s32 $_size__tile_overlayer_lowered;
	s7 =	simm.s32 $_tile_overlayer_lowered  }
0x9c: {  	s22 =	simm.s32 $0x1BFF;
	s21 =	sshll.u32 s7, $0x1;
	s4 =	sadd.s32 s5, s19  }
0x9d: {  	s8 =	simm.s32 $0x0;
	s20 =	sshll.u32 s6, $0x1;
	s6 =	sadd.s32 s21, s4  }
0x9e: {  	[timem:s8], [sflag:s22] =	dma.local [hbm:s6], s20  }
0x9f: {  	_ =	swait.ge [sflag:s22], s20  }
0xa0: {  	s5 =	ssub.s32 $0x0, s20;
	[sflag:s22] =	ssyncset.done $0x0  }
0xa1: {  	[sflag:s22] =	ssyncadd.s32 s5;
	_ =	sdelay $0x1  }
0xa2: {  	s23 =	simm.s32 $0x1B8B  }
0xa3: {  	_ =	swait.ge [sflag:s23], $0x1  }
0xa4: {  	[sflag:s23] =	ssyncset.done $0x0  }
0xa5: {  	s25 =	simm.s32 $0x1B8E;
	s24 =	sld [smem:$0x3FFE];
	[sflag:s23] =	ssyncadd.s32 $0xFFFFFFFF  }
0xa6: {  	s26 =	simm.s32 $execute0_lowered;
	[smem:$0x3FD2] =	sst s25  }
0xa7: {  	s6 =	sshll.u32 s26, $0x1;
	_ =	strace $0x80000046;
	[dreg:$0x1] =	wrdreg $0xFFFFFFFF  }
0xa8: {  	s28 =	simm.s32 $_size_execute0_lowered;
	s4 =	sadd.s32 s4, s6;
	[dreg:$0x0] =	wrdreg $0x0  }
0xa9: {  	s6 =	sshll.u32 s28, $0x1;
	[dreg:$0x2] =	wrdreg s4  }
0xaa: {  	[dreg:$0x3] =	wrdreg s6  }
0xab: {  	[dreg:$0x4] =	wrdreg $0xC0  }
0xac: {  	_ =	task [dreg:s8], $0x5FFFF  }
0xad: {  	[dreg:$0x1] =	wrdreg $0xFFFFFFFF  }
0xae: {  	[dreg:$0x0] =	wrdreg $0x60  }
0xaf: {  	[dreg:$0x2] =	wrdreg s24  }
0xb0: {  	[dreg:$0x3] =	wrdreg s2  }
0xb1: {  	[dreg:$0x4] =	wrdreg s18  }
0xb2: {  	[dreg:$0x5] =	wrdreg $0x9  }
0xb3: {  	_ =	task.clear_ibuf [dreg:s8], $0x6FFFF;
	_ =	strace $0x90000046  }
0xb4: {  	s29 =	simm.s32 $0x9;
	_ =	strace $0x80000048  }
0xb5: {  	_ =	swait.ge [sflag:s29], $0x1  }
0xb6: {  	[sflag:s29] =	ssyncadd.s32 $0xFFFFFFFF  }
0xb7: {  	_ =	strace $0x90000048  }
0xb8: {  	_ =	sfence  }
0xb9: {  	s30 =	sld [smem:$0x0];
	_ =	sdelay $0x2  }
0xba: {  	s31 =	sshll.u32 s1, $0xD;
	s1 =	sshrl.u32 s1, $0x2  }
0xbb: {  	s3 =	sand.u32 $0x4000, s31;
	s1 =	sadd.s32 s1, s30  }
0xbc: {  	s0 =	sor.u32 s3, s0;
	s1 =	sshll.u32 s1, $0x11  }
0xbd: {  	s0 =	sor.u32 s1, s0  }
0xbe: {  	s0 =	sadd.s32 $0x8F2B, s0  }
0xbf: {  	[sflag:s0] =	ssyncadd.remote.s32 $0x1  }
0xc0: {  	_ =	sfence.sel $0xFFFF  }
0xc1: {  	[dreg:$0x0] =	wrdreg $0xFFFFFFFF;
	(pc) =	sbr.abs _section_cstart, $3  }
0xc2: {  	[dreg:$0x1] =	wrdreg $0xFFFFFFFF  }
0xc3: {  	_ =	task.clear_ibuf [dreg:s8], $0x2FFFF;
	_ =	strace $0x9FFFFFFF  }
0xc4: {  	(tm) =	ssettm $0x7FFFFFFF  }
0xc5: {  	_ =	shalt  }
tec
execute0_lowered:
.L_overlay_start_1:
0x0: {  	(tag) =	ssettag $0x1  }
0x1: {  	s4 =	rddreg [dreg:$0x0];
	s1 =	srdreg.scid  }
0x2: {  	s0 =	stileid.u32;
	s2 =	rddreg [dreg:$0x1]  }
0x3: {  	s9 =	rddreg [dreg:$0x2];
	s3 =	simm.s32 $0x0;
	s12 =	simm.s32 $0x6400  }
0x4: {  	s13 =	simm.s32 $0xA400;
	s14 =	simm.s32 $0x1;
	s15 =	simm.s32 $0x2  }
0x5: {  	s5 =	sand.u32 $0x1, s1;
	s25 =	sshll.u32 s0, $0x1;
	s10 =	smul.u32 $0x640000, s0  }
0x6: {  	s16 =	simm.s32 $0x6380;
	s6 =	sor.u32 s5, s25;
	s11 =	smul.u32 $0x320000, s5  }
0x7: {  	s17 =	simm.s32 $0x0;
	s8 =	ssub.s32 $0x2, s5;
	s7 =	smul.u32 $0xC80, s6  }
0x8: {  	[smem:$0x7FF] =	sst s3;
	s6 =	smul.u32 $0x320000, s6;
	s26 =	sshrl.u32 s8, $0x1  }
0x9: {  	s1 =	rddreg [dreg:$0x3];
	_ =	strace $0x80000047;
	s28 =	ssub.s32 s8, s26  }
0xa: {  	s30 =	sadd.s32 s11, s10;
	s4 =	sadd.s32 s7, s4;
	s6 =	sshrl.u32 s6, $0x3  }
0xb: {  	s5 =	smax.u32 s28, $0x1;
	s10 =	sshrl.u32 s30, $0x3;
	s11 =	sor.u32 $0x4000, s30  }
0xc: {  	s4 =	sadd.s32 $0x400, s4;
	s29 =	sadd.s32 s9, s6;
	s8 =	sadd.s32 s10, s9  }
0xd: {  	s31 =	sshrl.u32 s11, $0x3;
	s10 =	simm.s32 $0x3;
	s11 =	simm.s32 $0x80  }
0xe: {  	s6 =	sadd.s32 $0x63000, s29;
	s7 =	sadd.s32 $0x63800, s29;
	s9 =	sadd.s32 s31, s9  }
.LBB2_1:
0xf: {  	[tilespmem:s3], [sflag:$0x3] =	stream.linear.gather [hbm4b:s4+s3], $0x6400, $0x38;
	[tilespmem:$0xE400] =	vst v63  }
0x10: {  	_ =	swait.ge [sflag:s10], $0x6400  }
0x11: {  	[sflag:s10] =	ssyncset.done $0x0  }
0x12: {  	[sflag:s10] =	ssyncadd.s32 $0xFFFF9C00  }
0x13: {  	[tilespmem:s12], [sflag:$0x1] =	stream.indirect.gather [hbm4b:s2+s11], $0x80, s3, s11, $0xb8;
	[tilespmem:$0xE400] =	vst v63  }
0x14: {  	s18 =	simm.s32 $0x80  }
0x15: {  	[tilespmem:s13], [sflag:$0x2] =	stream.indirect.gather [hbm4b:s2+s11], $0x80, s18, s11, $0xb8;
	[tilespmem:$0xE400] =	vst v63  }
0x16: {  	_ =	swait.ge [sflag:s14], $0x4000  }
0x17: {  	[sflag:s14] =	ssyncset.done $0x0  }
0x18: {  	s29 =	sadd.s32 $0x0, s8;
	[sflag:s14] =	ssyncadd.s32 $0xFFFFC000  }
0x19: {  	[hbm4b:s29+s3] =	stream.linear.scatter [tilespmem:s12], [sflag:$0x3], $0x4000, $0x38;
	[tilespmem:$0xE400] =	vst v63  }
0x1a: {  	_ =	swait.ge [sflag:s10], $0x4000  }
0x1b: {  	[sflag:s10] =	ssyncset.done $0x0  }
0x1c: {  	s30 =	simm.s32 $0x100;
	[sflag:s10] =	ssyncadd.s32 $0xFFFFC000  }
0x1d: {  	[tilespmem:s12], [sflag:$0x1] =	stream.indirect.gather [hbm4b:s2+s11], $0x80, s30, s11, $0xb8;
	[tilespmem:$0xE400] =	vst v63  }
0x1e: {  	_ =	swait.ge [sflag:s15], $0x4000  }
0x1f: {  	[sflag:s15] =	ssyncset.done $0x0  }
0x20: {  	s31 =	sadd.s32 $0x0, s9;
	[sflag:s15] =	ssyncadd.s32 $0xFFFFC000  }
0x21: {  	[hbm4b:s31+s3] =	stream.linear.scatter [tilespmem:s13], [sflag:$0x3], $0x4000, $0x38;
	[tilespmem:$0xE400] =	vst v63  }
0x22: {  	s20 =	simm.s32 $0x2000;
	_ =	swait.ge [sflag:s10], $0x4000  }
0x23: {  	s19 =	simm.s32 $0x200;
	s18 =	simm.s32 $0x1000;
	[sflag:s10] =	ssyncset.done $0x0  }
.LBB2_2:
0x24: {  	p0 =	sne.s32 s20, $0x62000;
	s21 =	sadd.s32 $0xFFFFFF80, s19;
	[sflag:s10] =	ssyncadd.s32 $0xFFFFC000  }
0x25: {  	[tilespmem:s13], [sflag:$0x2] =	stream.indirect.gather [hbm4b:s2+s11], $0x80, s21, s11, $0xb8;
	[tilespmem:$0xE400] =	vst v63  }
0x26: {  	s21 =	smov.u32 s20;
	s20 =	sadd.s32 $0x1000, s20;
	_ =	swait.ge [sflag:s14], $0x4000  }
0x27: {  	[sflag:s14] =	ssyncset.done $0x0  }
0x28: {  	s22 =	sadd.s32 s18, s8;
	[sflag:s14] =	ssyncadd.s32 $0xFFFFC000  }
0x29: {  	[hbm4b:s22+s3] =	stream.linear.scatter [tilespmem:s12], [sflag:$0x3], $0x4000, $0x38;
	[tilespmem:$0xE400] =	vst v63  }
0x2a: {  	_ =	swait.ge [sflag:s10], $0x4000  }
0x2b: {  	[sflag:s10] =	ssyncset.done $0x0  }
0x2c: {  	[sflag:s10] =	ssyncadd.s32 $0xFFFFC000  }
0x2d: {  	[tilespmem:s12], [sflag:$0x1] =	stream.indirect.gather [hbm4b:s2+s11], $0x80, s19, s11, $0xb8;
	[tilespmem:$0xE400] =	vst v63  }
0x2e: {  	_ =	swait.ge [sflag:s15], $0x4000  }
.Ltmp0:
0x2f: {  	[sflag:s15] =	ssyncset.done $0x0;
	(pc) =	sbr.rel @p0 .LBB2_2-.Ltmp0, $4  }
0x30: {  	s22 =	sadd.s32 s18, s9;
	s18 =	smov.u32 s21;
	[sflag:s15] =	ssyncadd.s32 $0xFFFFC000  }
0x31: {  	[hbm4b:s22+s3] =	stream.linear.scatter [tilespmem:s13], [sflag:$0x3], $0x4000, $0x38;
	[tilespmem:$0xE400] =	vst v63  }
0x32: {  	_ =	swait.ge [sflag:s10], $0x4000  }
0x33: {  	s19 =	sadd.s32 $0x100, s19;
	[sflag:s10] =	ssyncset.done $0x0  }
0x34: {  	s20 =	sadd.s32 $0xFFFFFF80, s19;
	[sflag:s10] =	ssyncadd.s32 $0xFFFFC000  }
0x35: {  	[tilespmem:s13], [sflag:$0x2] =	stream.indirect.gather [hbm4b:s2+s11], $0x80, s20, s11, $0xb8;
	[tilespmem:$0xE400] =	vst v63  }
0x36: {  	_ =	swait.ge [sflag:s14], $0x4000  }
0x37: {  	[sflag:s14] =	ssyncset.done $0x0  }
0x38: {  	s30 =	sadd.s32 s18, s8;
	[sflag:s14] =	ssyncadd.s32 $0xFFFFC000  }
0x39: {  	[hbm4b:s30+s3] =	stream.linear.scatter [tilespmem:s12], [sflag:$0x3], $0x4000, $0x38;
	[tilespmem:$0xE400] =	vst v63  }
0x3a: {  	_ =	swait.ge [sflag:s10], $0x4000  }
0x3b: {  	[sflag:s10] =	ssyncset.done $0x0  }
0x3c: {  	[sflag:s10] =	ssyncadd.s32 $0xFFFFC000  }
0x3d: {  	[tilespmem:s12], [sflag:$0x1] =	stream.indirect.gather [hbm4b:s2+s11], $0x80, s19, s11, $0xb8;
	[tilespmem:$0xE400] =	vst v63  }
0x3e: {  	_ =	swait.ge [sflag:s15], $0x4000  }
0x3f: {  	[sflag:s15] =	ssyncset.done $0x0  }
0x40: {  	s31 =	sadd.s32 s18, s9;
	[sflag:s15] =	ssyncadd.s32 $0xFFFFC000  }
0x41: {  	[hbm4b:s31+s3] =	stream.linear.scatter [tilespmem:s13], [sflag:$0x3], $0x4000, $0x38;
	[tilespmem:$0xE400] =	vst v63  }
0x42: {  	_ =	swait.ge [sflag:s10], $0x4000  }
0x43: {  	[sflag:s10] =	ssyncset.done $0x0  }
0x44: {  	[sflag:s10] =	ssyncadd.s32 $0xFFFFC000  }
0x45: {  	[tilespmem:s13], [sflag:$0x2] =	stream.indirect.gather [hbm4b:s2+s11], $0x80, s16, s11, $0xb8;
	[tilespmem:$0xE400] =	vst v63  }
0x46: {  	_ =	swait.ge [sflag:s14], $0x4000  }
0x47: {  	[sflag:s14] =	ssyncset.done $0x0  }
0x48: {  	[sflag:s14] =	ssyncadd.s32 $0xFFFFC000  }
0x49: {  	[hbm4b:s6+s3] =	stream.linear.scatter [tilespmem:s12], [sflag:$0x3], $0x4000, $0x38;
	[tilespmem:$0xE400] =	vst v63  }
0x4a: {  	_ =	swait.ge [sflag:s10], $0x4000  }
0x4b: {  	[sflag:s10] =	ssyncset.done $0x0  }
0x4c: {  	[sflag:s10] =	ssyncadd.s32 $0xFFFFC000  }
0x4d: {  	s17 =	sadd.s32 $0x1, s17;
	_ =	swait.ge [sflag:s15], $0x4000  }
0x4e: {  	p0 =	sne.s32 s17, s5;
	[sflag:s15] =	ssyncset.done $0x0  }
.Ltmp1:
0x4f: {  	[sflag:s15] =	ssyncadd.s32 $0xFFFFC000;
	(pc) =	sbr.rel @p0 .LBB2_1-.Ltmp1, $4  }
0x50: {  	[hbm4b:s7+s3] =	stream.linear.scatter [tilespmem:s13], [sflag:$0x3], $0x4000, $0x38;
	[tilespmem:$0xE400] =	vst v63  }
0x51: {  	_ =	swait.ge [sflag:s10], $0x4000  }
0x52: {  	[sflag:s10] =	ssyncset.done $0x0  }
0x53: {  	[sflag:s10] =	ssyncadd.s32 $0xFFFFC000  }
0x54: {  	_ =	sfence.sel $0x180000  }
0x55: {  	[bflag:$0x0] =	sbarrier.arrive $0xFFFF  }
0x56: {  	p0 =	sne.s32 s0, $0x0;
	_ =	strace $0x90000047  }
0x57: {  	s0 =	sadd.s32 @!p0 $0x100000, s1;
	[bflag:$0x2] =	sbarrier.arrive $0xFFFF  }
0x58: {  	[sflag:s0] =	ssyncadd.tile.s32 @!p0 $0x1;
	_ =	shalt  }
.Lfunc_end2:
_tile_overlayer_lowered:
.L_overlay_start_2:
0x59: {  	(tag) =	ssettag $0x2  }
0x5a: {  	s0 =	rddreg [dreg:$0x0];
	s2 =	stileid.u32  }
0x5b: {  	s1 =	rddreg [dreg:$0x1];
	p0 =	sne.s32 s2, $0x0  }
0x5c: {  	s3 =	rddreg [dreg:$0x2];
	[bflag:$0x3] =	sbarrier.arrive $0xFFFF;
	s2 =	simm.s32 @!p0 $0x1C03  }
0x5d: {  	[timem:s3], [sflag:s2] =	dma.local @!p0 [hbm:s0], s1  }
0x5e: {  	s0 =	simm.s32 @!p0 $0x3  }
0x5f: {  	_ =	swait.ge @!p0 [sflag:s0], s1  }
0x60: {  	s1 =	ssub.s32 @!p0 $0x0, s1;
	[sflag:s0] =	ssyncset.done @!p0 $0x0  }
0x61: {  	[sflag:s0] =	ssyncadd.s32 @!p0 s1  }
0x62: {  	[bflag:$0x3] =	sbarrier.arrive $0xFFFF  }
0x63: {  	_ =	shalt  }

</sc_bundles>
